<compile_context>
chip_gen: v7x
topology: tpu7x:2x2x1
jax: 0.10.2.dev20260603
libtpu: 0.0.44.dev20260713+nightly
codegen_flags: <defaults>
</compile_context>

<pallas_src>
import functools

import jax
import jax.numpy as jnp
from jax import lax
from jax.experimental import pallas as pl
from jax.experimental.pallas import tpu as pltpu
from jax.experimental.pallas import tpu_sc as plsc

D_MODEL = 128
BATCH = 16384

_info = plsc.get_sparse_core_info()
NC, NS = _info.num_cores, _info.num_subcores
NW = NC * NS
B_PER_W = BATCH // NW
CHUNK = 128
NCH = B_PER_W // CHUNK

_mesh = plsc.VectorSubcoreMesh(core_axis_name="c", subcore_axis_name="s")


@functools.partial(
    pl.kernel,
    mesh=_mesh,
    out_type=[
        jax.ShapeDtypeStruct((BATCH, D_MODEL), jnp.float32),
        jax.ShapeDtypeStruct((BATCH,), jnp.float32),
    ],
    scratch_types=[
        pltpu.VMEM((NCH, CHUNK), jnp.int32),
        pltpu.VMEM((B_PER_W, D_MODEL), jnp.float32),
        pltpu.VMEM((B_PER_W,), jnp.float32),
    ]
    + [pltpu.SemaphoreType.DMA for _ in range(NCH)]
    + [pltpu.SemaphoreType.DMA, pltpu.SemaphoreType.DMA],
)
def _gather_kernel(idx_hbm, weight_hbm, bias_hbm, w_out, b_out,
                   idx_v, rows_v, bias_v, *sems):
    gsems, bsem, ssem = sems[:NCH], sems[NCH], sems[NCH + 1]
    wid = lax.axis_index("s") * NC + lax.axis_index("c")
    base = wid * B_PER_W
    pltpu.sync_copy(idx_hbm.at[wid], idx_v)
    wcopies = []
    for j in range(NCH):
        wcopies.append(pltpu.async_copy(
            weight_hbm.at[idx_v.at[j]],
            rows_v.at[pl.ds(j * CHUNK, CHUNK)], gsems[j]))
    bcopies = []
    for j in range(NCH):
        bcopies.append(pltpu.async_copy(
            bias_hbm.at[idx_v.at[j]],
            bias_v.at[pl.ds(j * CHUNK, CHUNK)], bsem))
    stores = []
    for j in range(NCH):
        wcopies[j].wait()
        stores.append(pltpu.async_copy(
            rows_v.at[pl.ds(j * CHUNK, CHUNK)],
            w_out.at[pl.ds(base + j * CHUNK, CHUNK)], ssem))
    for c in bcopies:
        c.wait()
    stores.append(pltpu.async_copy(bias_v, b_out.at[pl.ds(base, B_PER_W)], ssem))
    for s in stores:
        s.wait()


def kernel(coords, voxel_indices, weight, bias):
    del coords
    idx = voxel_indices.astype(jnp.int32).reshape(NW, NCH, CHUNK)
    w, b = _gather_kernel(idx, weight, bias)
    return (w, b)

# --- scband reference (transcript-rebuilt; emitter-appended) ---
"""Pipeline reference for scband-voxel-non-share-linear-weight-47588237640209 (READ-ONLY COPY).

The authoritative reference and input builder live on the scoring server;
editing this copy changes nothing except your own understanding.
"""

import jax, jax.numpy as jnp
import numpy as np

D_MODEL = 128
N_VOXELS = 100000
BATCH = 16384

def setup_inputs(seed: int = 0) -> dict:
    key = jax.random.key(seed)
    k1, k2, k3, k4 = jax.random.split(key, 4)
    coords = jax.random.normal(k1, (BATCH, 3), dtype=jnp.float32)
    voxel_indices = jax.random.randint(k2, (BATCH,), 0, N_VOXELS, dtype=jnp.int64 if jax.config.jax_enable_x64 else jnp.int32)
    # Parameters mimic nn.Linear(d_model, n_voxels): weight [n_voxels, d_model], bias [n_voxels]
    bound = 1.0 / np.sqrt(D_MODEL)
    weight = jax.random.uniform(k3, (N_VOXELS, D_MODEL), minval=-bound, maxval=bound, dtype=jnp.float32)
    bias = jax.random.uniform(k4, (N_VOXELS,), minval=-bound, maxval=bound, dtype=jnp.float32)
    return {"coords": coords, "voxel_indices": voxel_indices, "weight": weight, "bias": bias}

def reference(coords, voxel_indices, weight, bias):
    # Faithful translation: coords is accepted but unused in the original forward.
    w = jnp.take(weight, voxel_indices, axis=0)
    b = jnp.take(bias, voxel_indices, axis=0)
    return (w, b)

if __name__ == "__main__":
    import jax
    _d = setup_inputs()
    print(jax.jit(kernel)(*tuple(_d.values())))

</pallas_src>

<mosaic_0001>
#map = affine_map<(d0, d1) -> (0, 0, 0)>
#map1 = affine_map<(d0, d1) -> (0, 0)>
#map2 = affine_map<(d0, d1) -> (0)>
module attributes {stable_mosaic.version = 14 : i64} {
  func.func @_gather_kernel(%arg0: i32, %arg1: i32, %arg2: memref<32x4x128xi32, #tpu.memory_space<hbm>>, %arg3: memref<100000x128xf32, #tpu.memory_space<hbm>>, %arg4: memref<100000xf32, #tpu.memory_space<hbm>>, %arg5: memref<16384x128xf32, #tpu.memory_space<hbm>>, %arg6: memref<16384xf32, #tpu.memory_space<hbm>>, %arg7: memref<4x128xi32, #tpu.memory_space<vmem>>, %arg8: memref<512x128xf32, #tpu.memory_space<vmem>>, %arg9: memref<512xf32, #tpu.memory_space<vmem>>, %arg10: memref<!tpu.dma_semaphore, #tpu.memory_space<semaphore_mem>>, %arg11: memref<!tpu.dma_semaphore, #tpu.memory_space<semaphore_mem>>, %arg12: memref<!tpu.dma_semaphore, #tpu.memory_space<semaphore_mem>>, %arg13: memref<!tpu.dma_semaphore, #tpu.memory_space<semaphore_mem>>, %arg14: memref<!tpu.dma_semaphore, #tpu.memory_space<semaphore_mem>>, %arg15: memref<!tpu.dma_semaphore, #tpu.memory_space<semaphore_mem>>) attributes {dimension_semantics = [#tpu.dimension_semantics<core_parallel>, #tpu.dimension_semantics<subcore_parallel>], iteration_bounds = array<i64: 2, 16>, scalar_prefetch = 0 : i64, scratch_operands = 9 : i64, tpu.core_type = #tpu.core_type<sc_vector_subcore>, window_params = [{transform_indices = #map}, {transform_indices = #map1}, {transform_indices = #map2}, {transform_indices = #map1}, {transform_indices = #map2}]} {
    %mul3A = arith.constant 2 : i32
    %mul3A_0 = arith.muli %arg1, %mul3A : i32
    %add3A = arith.addi %mul3A_0, %arg0 : i32
    %mul3A_1 = arith.constant 512 : i32
    %mul3A_2 = arith.muli %add3A, %mul3A_1 : i32
    "tpu.region"() ({
      %run_scoped3A = tpu.sem_alloc : memref<!tpu.dma_semaphore, #tpu.memory_space<semaphore_mem>>
      %dma_start3A_237 = arith.constant 0 : i32
      %dma_start3A_238 = arith.constant 0 : i32
      %dma_start3A_239 = tpu.memref_slice %arg2[%add3A, %dma_start3A_237, %dma_start3A_238] : memref<32x4x128xi32, #tpu.memory_space<hbm>> -> memref<1x4x128xi32, #tpu.memory_space<hbm>>
      %dma_start3A_240 = tpu.memref_squeeze %dma_start3A_239 : memref<1x4x128xi32, #tpu.memory_space<hbm>> -> memref<4x128xi32, #tpu.memory_space<hbm>>
      %dma_start3A_241 = arith.constant 0 : i32
      %dma_start3A_242 = arith.constant 0 : i32
      %dma_start3A_243 = tpu.memref_slice %arg2[%add3A, %dma_start3A_241, %dma_start3A_242] : memref<32x4x128xi32, #tpu.memory_space<hbm>> -> memref<1x4x128xi32, #tpu.memory_space<hbm>>
      %dma_start3A_244 = tpu.memref_squeeze %dma_start3A_243 : memref<1x4x128xi32, #tpu.memory_space<hbm>> -> memref<4x128xi32, #tpu.memory_space<hbm>>
      tpu.enqueue_dma source(%dma_start3A_244 : memref<4x128xi32, #tpu.memory_space<hbm>>) target(%arg7 : memref<4x128xi32, #tpu.memory_space<vmem>>) target_semaphore(%run_scoped3A : memref<!tpu.dma_semaphore, #tpu.memory_space<semaphore_mem>>)
      %dma_wait3A_245 = arith.constant 0 : i32
      %dma_wait3A_246 = arith.constant 0 : i32
      %dma_wait3A_247 = tpu.memref_slice %arg2[%add3A, %dma_wait3A_245, %dma_wait3A_246] : memref<32x4x128xi32, #tpu.memory_space<hbm>> -> memref<1x4x128xi32, #tpu.memory_space<hbm>>
      %dma_wait3A_248 = tpu.memref_squeeze %dma_wait3A_247 : memref<1x4x128xi32, #tpu.memory_space<hbm>> -> memref<4x128xi32, #tpu.memory_space<hbm>>
      %dma_wait3A_249 = arith.constant 0 : i32
      %dma_wait3A_250 = arith.constant 0 : i32
      %dma_wait3A_251 = tpu.memref_slice %arg2[%add3A, %dma_wait3A_249, %dma_wait3A_250] : memref<32x4x128xi32, #tpu.memory_space<hbm>> -> memref<1x4x128xi32, #tpu.memory_space<hbm>>
      %dma_wait3A_252 = tpu.memref_squeeze %dma_wait3A_251 : memref<1x4x128xi32, #tpu.memory_space<hbm>> -> memref<4x128xi32, #tpu.memory_space<hbm>>
      tpu.wait_dma2 semaphore(%run_scoped3A : memref<!tpu.dma_semaphore, #tpu.memory_space<semaphore_mem>>) src(%dma_wait3A_252 : memref<4x128xi32, #tpu.memory_space<hbm>>) dst(%arg7 : memref<4x128xi32, #tpu.memory_space<vmem>>)
      tpu.yield
    }) : () -> ()
    %dma_start3A = arith.constant 0 : i32
    %dma_start3A_3 = arith.constant 0 : i32
    %dma_start3A_4 = arith.constant 0 : i32
    %dma_start3A_5 = tpu.memref_slice %arg8[%dma_start3A_3, %dma_start3A_4] : memref<512x128xf32, #tpu.memory_space<vmem>> -> memref<128x128xf32, #tpu.memory_space<vmem>>
    %dma_start3A_6 = arith.constant 0 : i32
    %dma_start3A_7 = tpu.memref_slice %arg7[%dma_start3A, %dma_start3A_6] : memref<4x128xi32, #tpu.memory_space<vmem>> -> memref<1x128xi32, #tpu.memory_space<vmem>>
    %dma_start3A_8 = tpu.memref_squeeze %dma_start3A_7 : memref<1x128xi32, #tpu.memory_space<vmem>> -> memref<128xi32, #tpu.memory_space<vmem>>
    %dma_start3A_9 = arith.constant 0 : i32
    %dma_start3A_10 = arith.constant 0 : i32
    %dma_start3A_11 = tpu.memref_slice %arg3[%dma_start3A_9, %dma_start3A_10] : memref<100000x128xf32, #tpu.memory_space<hbm>> -> memref<100000x128xf32, #tpu.memory_space<hbm>>
    tpu.enqueue_indirect_dma source(%dma_start3A_11 : memref<100000x128xf32, #tpu.memory_space<hbm>>) target(%dma_start3A_5 : memref<128x128xf32, #tpu.memory_space<vmem>>) offsets(%dma_start3A_8 : memref<128xi32, #tpu.memory_space<vmem>>) semaphore(%arg10 : memref<!tpu.dma_semaphore, #tpu.memory_space<semaphore_mem>>)
    %dma_start3A_12 = arith.constant 1 : i32
    %dma_start3A_13 = arith.constant 128 : i32
    %dma_start3A_14 = arith.constant 0 : i32
    %dma_start3A_15 = tpu.memref_slice %arg8[%dma_start3A_13, %dma_start3A_14] : memref<512x128xf32, #tpu.memory_space<vmem>> -> memref<128x128xf32, #tpu.memory_space<vmem>>
    %dma_start3A_16 = arith.constant 0 : i32
    %dma_start3A_17 = tpu.memref_slice %arg7[%dma_start3A_12, %dma_start3A_16] : memref<4x128xi32, #tpu.memory_space<vmem>> -> memref<1x128xi32, #tpu.memory_space<vmem>>
    %dma_start3A_18 = tpu.memref_squeeze %dma_start3A_17 : memref<1x128xi32, #tpu.memory_space<vmem>> -> memref<128xi32, #tpu.memory_space<vmem>>
    %dma_start3A_19 = arith.constant 0 : i32
    %dma_start3A_20 = arith.constant 0 : i32
    %dma_start3A_21 = tpu.memref_slice %arg3[%dma_start3A_19, %dma_start3A_20] : memref<100000x128xf32, #tpu.memory_space<hbm>> -> memref<100000x128xf32, #tpu.memory_space<hbm>>
    tpu.enqueue_indirect_dma source(%dma_start3A_21 : memref<100000x128xf32, #tpu.memory_space<hbm>>) target(%dma_start3A_15 : memref<128x128xf32, #tpu.memory_space<vmem>>) offsets(%dma_start3A_18 : memref<128xi32, #tpu.memory_space<vmem>>) semaphore(%arg11 : memref<!tpu.dma_semaphore, #tpu.memory_space<semaphore_mem>>)
    %dma_start3A_22 = arith.constant 2 : i32
    %dma_start3A_23 = arith.constant 256 : i32
    %dma_start3A_24 = arith.constant 0 : i32
    %dma_start3A_25 = tpu.memref_slice %arg8[%dma_start3A_23, %dma_start3A_24] : memref<512x128xf32, #tpu.memory_space<vmem>> -> memref<128x128xf32, #tpu.memory_space<vmem>>
    %dma_start3A_26 = arith.constant 0 : i32
    %dma_start3A_27 = tpu.memref_slice %arg7[%dma_start3A_22, %dma_start3A_26] : memref<4x128xi32, #tpu.memory_space<vmem>> -> memref<1x128xi32, #tpu.memory_space<vmem>>
    %dma_start3A_28 = tpu.memref_squeeze %dma_start3A_27 : memref<1x128xi32, #tpu.memory_space<vmem>> -> memref<128xi32, #tpu.memory_space<vmem>>
    %dma_start3A_29 = arith.constant 0 : i32
    %dma_start3A_30 = arith.constant 0 : i32
    %dma_start3A_31 = tpu.memref_slice %arg3[%dma_start3A_29, %dma_start3A_30] : memref<100000x128xf32, #tpu.memory_space<hbm>> -> memref<100000x128xf32, #tpu.memory_space<hbm>>
    tpu.enqueue_indirect_dma source(%dma_start3A_31 : memref<100000x128xf32, #tpu.memory_space<hbm>>) target(%dma_start3A_25 : memref<128x128xf32, #tpu.memory_space<vmem>>) offsets(%dma_start3A_28 : memref<128xi32, #tpu.memory_space<vmem>>) semaphore(%arg12 : memref<!tpu.dma_semaphore, #tpu.memory_space<semaphore_mem>>)
    %dma_start3A_32 = arith.constant 3 : i32
    %dma_start3A_33 = arith.constant 384 : i32
    %dma_start3A_34 = arith.constant 0 : i32
    %dma_start3A_35 = tpu.memref_slice %arg8[%dma_start3A_33, %dma_start3A_34] : memref<512x128xf32, #tpu.memory_space<vmem>> -> memref<128x128xf32, #tpu.memory_space<vmem>>
    %dma_start3A_36 = arith.constant 0 : i32
    %dma_start3A_37 = tpu.memref_slice %arg7[%dma_start3A_32, %dma_start3A_36] : memref<4x128xi32, #tpu.memory_space<vmem>> -> memref<1x128xi32, #tpu.memory_space<vmem>>
    %dma_start3A_38 = tpu.memref_squeeze %dma_start3A_37 : memref<1x128xi32, #tpu.memory_space<vmem>> -> memref<128xi32, #tpu.memory_space<vmem>>
    %dma_start3A_39 = arith.constant 0 : i32
    %dma_start3A_40 = arith.constant 0 : i32
    %dma_start3A_41 = tpu.memref_slice %arg3[%dma_start3A_39, %dma_start3A_40] : memref<100000x128xf32, #tpu.memory_space<hbm>> -> memref<100000x128xf32, #tpu.memory_space<hbm>>
    tpu.enqueue_indirect_dma source(%dma_start3A_41 : memref<100000x128xf32, #tpu.memory_space<hbm>>) target(%dma_start3A_35 : memref<128x128xf32, #tpu.memory_space<vmem>>) offsets(%dma_start3A_38 : memref<128xi32, #tpu.memory_space<vmem>>) semaphore(%arg13 : memref<!tpu.dma_semaphore, #tpu.memory_space<semaphore_mem>>)
    %dma_start3A_42 = arith.constant 0 : i32
    %dma_start3A_43 = arith.constant 0 : i32
    %dma_start3A_44 = tpu.memref_slice %arg9[%dma_start3A_43] : memref<512xf32, #tpu.memory_space<vmem>> -> memref<128xf32, #tpu.memory_space<vmem>>
    %dma_start3A_45 = arith.constant 0 : i32
    %dma_start3A_46 = tpu.memref_slice %arg7[%dma_start3A_42, %dma_start3A_45] : memref<4x128xi32, #tpu.memory_space<vmem>> -> memref<1x128xi32, #tpu.memory_space<vmem>>
    %dma_start3A_47 = tpu.memref_squeeze %dma_start3A_46 : memref<1x128xi32, #tpu.memory_space<vmem>> -> memref<128xi32, #tpu.memory_space<vmem>>
    %dma_start3A_48 = arith.constant 0 : i32
    %dma_start3A_49 = tpu.memref_slice %arg4[%dma_start3A_48] : memref<100000xf32, #tpu.memory_space<hbm>> -> memref<100000xf32, #tpu.memory_space<hbm>>
    tpu.enqueue_indirect_dma source(%dma_start3A_49 : memref<100000xf32, #tpu.memory_space<hbm>>) target(%dma_start3A_44 : memref<128xf32, #tpu.memory_space<vmem>>) offsets(%dma_start3A_47 : memref<128xi32, #tpu.memory_space<vmem>>) semaphore(%arg14 : memref<!tpu.dma_semaphore, #tpu.memory_space<semaphore_mem>>)
    %dma_start3A_50 = arith.constant 1 : i32
    %dma_start3A_51 = arith.constant 128 : i32
    %dma_start3A_52 = tpu.memref_slice %arg9[%dma_start3A_51] : memref<512xf32, #tpu.memory_space<vmem>> -> memref<128xf32, #tpu.memory_space<vmem>>
    %dma_start3A_53 = arith.constant 0 : i32
    %dma_start3A_54 = tpu.memref_slice %arg7[%dma_start3A_50, %dma_start3A_53] : memref<4x128xi32, #tpu.memory_space<vmem>> -> memref<1x128xi32, #tpu.memory_space<vmem>>
    %dma_start3A_55 = tpu.memref_squeeze %dma_start3A_54 : memref<1x128xi32, #tpu.memory_space<vmem>> -> memref<128xi32, #tpu.memory_space<vmem>>
    %dma_start3A_56 = arith.constant 0 : i32
    %dma_start3A_57 = tpu.memref_slice %arg4[%dma_start3A_56] : memref<100000xf32, #tpu.memory_space<hbm>> -> memref<100000xf32, #tpu.memory_space<hbm>>
    tpu.enqueue_indirect_dma source(%dma_start3A_57 : memref<100000xf32, #tpu.memory_space<hbm>>) target(%dma_start3A_52 : memref<128xf32, #tpu.memory_space<vmem>>) offsets(%dma_start3A_55 : memref<128xi32, #tpu.memory_space<vmem>>) semaphore(%arg14 : memref<!tpu.dma_semaphore, #tpu.memory_space<semaphore_mem>>)
    %dma_start3A_58 = arith.constant 2 : i32
    %dma_start3A_59 = arith.constant 256 : i32
    %dma_start3A_60 = tpu.memref_slice %arg9[%dma_start3A_59] : memref<512xf32, #tpu.memory_space<vmem>> -> memref<128xf32, #tpu.memory_space<vmem>>
    %dma_start3A_61 = arith.constant 0 : i32
    %dma_start3A_62 = tpu.memref_slice %arg7[%dma_start3A_58, %dma_start3A_61] : memref<4x128xi32, #tpu.memory_space<vmem>> -> memref<1x128xi32, #tpu.memory_space<vmem>>
    %dma_start3A_63 = tpu.memref_squeeze %dma_start3A_62 : memref<1x128xi32, #tpu.memory_space<vmem>> -> memref<128xi32, #tpu.memory_space<vmem>>
    %dma_start3A_64 = arith.constant 0 : i32
    %dma_start3A_65 = tpu.memref_slice %arg4[%dma_start3A_64] : memref<100000xf32, #tpu.memory_space<hbm>> -> memref<100000xf32, #tpu.memory_space<hbm>>
    tpu.enqueue_indirect_dma source(%dma_start3A_65 : memref<100000xf32, #tpu.memory_space<hbm>>) target(%dma_start3A_60 : memref<128xf32, #tpu.memory_space<vmem>>) offsets(%dma_start3A_63 : memref<128xi32, #tpu.memory_space<vmem>>) semaphore(%arg14 : memref<!tpu.dma_semaphore, #tpu.memory_space<semaphore_mem>>)
    %dma_start3A_66 = arith.constant 3 : i32
    %dma_start3A_67 = arith.constant 384 : i32
    %dma_start3A_68 = tpu.memref_slice %arg9[%dma_start3A_67] : memref<512xf32, #tpu.memory_space<vmem>> -> memref<128xf32, #tpu.memory_space<vmem>>
    %dma_start3A_69 = arith.constant 0 : i32
    %dma_start3A_70 = tpu.memref_slice %arg7[%dma_start3A_66, %dma_start3A_69] : memref<4x128xi32, #tpu.memory_space<vmem>> -> memref<1x128xi32, #tpu.memory_space<vmem>>
    %dma_start3A_71 = tpu.memref_squeeze %dma_start3A_70 : memref<1x128xi32, #tpu.memory_space<vmem>> -> memref<128xi32, #tpu.memory_space<vmem>>
    %dma_start3A_72 = arith.constant 0 : i32
    %dma_start3A_73 = tpu.memref_slice %arg4[%dma_start3A_72] : memref<100000xf32, #tpu.memory_space<hbm>> -> memref<100000xf32, #tpu.memory_space<hbm>>
    tpu.enqueue_indirect_dma source(%dma_start3A_73 : memref<100000xf32, #tpu.memory_space<hbm>>) target(%dma_start3A_68 : memref<128xf32, #tpu.memory_space<vmem>>) offsets(%dma_start3A_71 : memref<128xi32, #tpu.memory_space<vmem>>) semaphore(%arg14 : memref<!tpu.dma_semaphore, #tpu.memory_space<semaphore_mem>>)
    %dma_wait3A = arith.constant 0 : i32
    %dma_wait3A_74 = arith.constant 0 : i32
    %dma_wait3A_75 = arith.constant 0 : i32
    %dma_wait3A_76 = tpu.memref_slice %arg8[%dma_wait3A_74, %dma_wait3A_75] : memref<512x128xf32, #tpu.memory_space<vmem>> -> memref<128x128xf32, #tpu.memory_space<vmem>>
    %dma_wait3A_77 = arith.constant 0 : i32
    %dma_wait3A_78 = tpu.memref_slice %arg7[%dma_wait3A, %dma_wait3A_77] : memref<4x128xi32, #tpu.memory_space<vmem>> -> memref<1x128xi32, #tpu.memory_space<vmem>>
    %dma_wait3A_79 = tpu.memref_squeeze %dma_wait3A_78 : memref<1x128xi32, #tpu.memory_space<vmem>> -> memref<128xi32, #tpu.memory_space<vmem>>
    %dma_wait3A_80 = arith.constant 0 : i32
    %dma_wait3A_81 = arith.constant 0 : i32
    %dma_wait3A_82 = tpu.memref_slice %arg3[%dma_wait3A_80, %dma_wait3A_81] : memref<100000x128xf32, #tpu.memory_space<hbm>> -> memref<100000x128xf32, #tpu.memory_space<hbm>>
    tpu.wait_indirect_dma semaphore(%arg10 : memref<!tpu.dma_semaphore, #tpu.memory_space<semaphore_mem>>) src(%dma_wait3A_82 : memref<100000x128xf32, #tpu.memory_space<hbm>>) dst(%dma_wait3A_76 : memref<128x128xf32, #tpu.memory_space<vmem>>)
    %add3A_83 = arith.constant 0 : i32
    %add3A_84 = arith.addi %mul3A_2, %add3A_83 : i32
    %dma_start3A_85 = arith.constant 0 : i32
    %dma_start3A_86 = arith.constant 0 : i32
    %dma_start3A_87 = tpu.memref_slice %arg8[%dma_start3A_85, %dma_start3A_86] : memref<512x128xf32, #tpu.memory_space<vmem>> -> memref<128x128xf32, #tpu.memory_space<vmem>>
    %dma_start3A_88 = arith.constant 0 : i32
    %dma_start3A_89 = tpu.memref_slice %arg5[%add3A_84, %dma_start3A_88] : memref<16384x128xf32, #tpu.memory_space<hbm>> -> memref<128x128xf32, #tpu.memory_space<hbm>>
    %dma_start3A_90 = arith.constant 0 : i32
    %dma_start3A_91 = tpu.memref_slice %arg5[%add3A_84, %dma_start3A_90] : memref<16384x128xf32, #tpu.memory_space<hbm>> -> memref<128x128xf32, #tpu.memory_space<hbm>>
    %dma_start3A_92 = arith.constant 0 : i32
    %dma_start3A_93 = arith.constant 0 : i32
    %dma_start3A_94 = tpu.memref_slice %arg8[%dma_start3A_92, %dma_start3A_93] : memref<512x128xf32, #tpu.memory_space<vmem>> -> memref<128x128xf32, #tpu.memory_space<vmem>>
    tpu.enqueue_dma source(%dma_start3A_94 : memref<128x128xf32, #tpu.memory_space<vmem>>) target(%dma_start3A_91 : memref<128x128xf32, #tpu.memory_space<hbm>>) target_semaphore(%arg15 : memref<!tpu.dma_semaphore, #tpu.memory_space<semaphore_mem>>)
    %dma_wait3A_95 = arith.constant 1 : i32
    %dma_wait3A_96 = arith.constant 128 : i32
    %dma_wait3A_97 = arith.constant 0 : i32
    %dma_wait3A_98 = tpu.memref_slice %arg8[%dma_wait3A_96, %dma_wait3A_97] : memref<512x128xf32, #tpu.memory_space<vmem>> -> memref<128x128xf32, #tpu.memory_space<vmem>>
    %dma_wait3A_99 = arith.constant 0 : i32
    %dma_wait3A_100 = tpu.memref_slice %arg7[%dma_wait3A_95, %dma_wait3A_99] : memref<4x128xi32, #tpu.memory_space<vmem>> -> memref<1x128xi32, #tpu.memory_space<vmem>>
    %dma_wait3A_101 = tpu.memref_squeeze %dma_wait3A_100 : memref<1x128xi32, #tpu.memory_space<vmem>> -> memref<128xi32, #tpu.memory_space<vmem>>
    %dma_wait3A_102 = arith.constant 0 : i32
    %dma_wait3A_103 = arith.constant 0 : i32
    %dma_wait3A_104 = tpu.memref_slice %arg3[%dma_wait3A_102, %dma_wait3A_103] : memref<100000x128xf32, #tpu.memory_space<hbm>> -> memref<100000x128xf32, #tpu.memory_space<hbm>>
    tpu.wait_indirect_dma semaphore(%arg11 : memref<!tpu.dma_semaphore, #tpu.memory_space<semaphore_mem>>) src(%dma_wait3A_104 : memref<100000x128xf32, #tpu.memory_space<hbm>>) dst(%dma_wait3A_98 : memref<128x128xf32, #tpu.memory_space<vmem>>)
    %add3A_105 = arith.constant 128 : i32
    %add3A_106 = arith.addi %mul3A_2, %add3A_105 : i32
    %dma_start3A_107 = arith.constant 128 : i32
    %dma_start3A_108 = arith.constant 0 : i32
    %dma_start3A_109 = tpu.memref_slice %arg8[%dma_start3A_107, %dma_start3A_108] : memref<512x128xf32, #tpu.memory_space<vmem>> -> memref<128x128xf32, #tpu.memory_space<vmem>>
    %dma_start3A_110 = arith.constant 0 : i32
    %dma_start3A_111 = tpu.memref_slice %arg5[%add3A_106, %dma_start3A_110] : memref<16384x128xf32, #tpu.memory_space<hbm>> -> memref<128x128xf32, #tpu.memory_space<hbm>>
    %dma_start3A_112 = arith.constant 0 : i32
    %dma_start3A_113 = tpu.memref_slice %arg5[%add3A_106, %dma_start3A_112] : memref<16384x128xf32, #tpu.memory_space<hbm>> -> memref<128x128xf32, #tpu.memory_space<hbm>>
    %dma_start3A_114 = arith.constant 128 : i32
    %dma_start3A_115 = arith.constant 0 : i32
    %dma_start3A_116 = tpu.memref_slice %arg8[%dma_start3A_114, %dma_start3A_115] : memref<512x128xf32, #tpu.memory_space<vmem>> -> memref<128x128xf32, #tpu.memory_space<vmem>>
    tpu.enqueue_dma source(%dma_start3A_116 : memref<128x128xf32, #tpu.memory_space<vmem>>) target(%dma_start3A_113 : memref<128x128xf32, #tpu.memory_space<hbm>>) target_semaphore(%arg15 : memref<!tpu.dma_semaphore, #tpu.memory_space<semaphore_mem>>)
    %dma_wait3A_117 = arith.constant 2 : i32
    %dma_wait3A_118 = arith.constant 256 : i32
    %dma_wait3A_119 = arith.constant 0 : i32
    %dma_wait3A_120 = tpu.memref_slice %arg8[%dma_wait3A_118, %dma_wait3A_119] : memref<512x128xf32, #tpu.memory_space<vmem>> -> memref<128x128xf32, #tpu.memory_space<vmem>>
    %dma_wait3A_121 = arith.constant 0 : i32
    %dma_wait3A_122 = tpu.memref_slice %arg7[%dma_wait3A_117, %dma_wait3A_121] : memref<4x128xi32, #tpu.memory_space<vmem>> -> memref<1x128xi32, #tpu.memory_space<vmem>>
    %dma_wait3A_123 = tpu.memref_squeeze %dma_wait3A_122 : memref<1x128xi32, #tpu.memory_space<vmem>> -> memref<128xi32, #tpu.memory_space<vmem>>
    %dma_wait3A_124 = arith.constant 0 : i32
    %dma_wait3A_125 = arith.constant 0 : i32
    %dma_wait3A_126 = tpu.memref_slice %arg3[%dma_wait3A_124, %dma_wait3A_125] : memref<100000x128xf32, #tpu.memory_space<hbm>> -> memref<100000x128xf32, #tpu.memory_space<hbm>>
    tpu.wait_indirect_dma semaphore(%arg12 : memref<!tpu.dma_semaphore, #tpu.memory_space<semaphore_mem>>) src(%dma_wait3A_126 : memref<100000x128xf32, #tpu.memory_space<hbm>>) dst(%dma_wait3A_120 : memref<128x128xf32, #tpu.memory_space<vmem>>)
    %add3A_127 = arith.constant 256 : i32
    %add3A_128 = arith.addi %mul3A_2, %add3A_127 : i32
    %dma_start3A_129 = arith.constant 256 : i32
    %dma_start3A_130 = arith.constant 0 : i32
    %dma_start3A_131 = tpu.memref_slice %arg8[%dma_start3A_129, %dma_start3A_130] : memref<512x128xf32, #tpu.memory_space<vmem>> -> memref<128x128xf32, #tpu.memory_space<vmem>>
    %dma_start3A_132 = arith.constant 0 : i32
    %dma_start3A_133 = tpu.memref_slice %arg5[%add3A_128, %dma_start3A_132] : memref<16384x128xf32, #tpu.memory_space<hbm>> -> memref<128x128xf32, #tpu.memory_space<hbm>>
    %dma_start3A_134 = arith.constant 0 : i32
    %dma_start3A_135 = tpu.memref_slice %arg5[%add3A_128, %dma_start3A_134] : memref<16384x128xf32, #tpu.memory_space<hbm>> -> memref<128x128xf32, #tpu.memory_space<hbm>>
    %dma_start3A_136 = arith.constant 256 : i32
    %dma_start3A_137 = arith.constant 0 : i32
    %dma_start3A_138 = tpu.memref_slice %arg8[%dma_start3A_136, %dma_start3A_137] : memref<512x128xf32, #tpu.memory_space<vmem>> -> memref<128x128xf32, #tpu.memory_space<vmem>>
    tpu.enqueue_dma source(%dma_start3A_138 : memref<128x128xf32, #tpu.memory_space<vmem>>) target(%dma_start3A_135 : memref<128x128xf32, #tpu.memory_space<hbm>>) target_semaphore(%arg15 : memref<!tpu.dma_semaphore, #tpu.memory_space<semaphore_mem>>)
    %dma_wait3A_139 = arith.constant 3 : i32
    %dma_wait3A_140 = arith.constant 384 : i32
    %dma_wait3A_141 = arith.constant 0 : i32
    %dma_wait3A_142 = tpu.memref_slice %arg8[%dma_wait3A_140, %dma_wait3A_141] : memref<512x128xf32, #tpu.memory_space<vmem>> -> memref<128x128xf32, #tpu.memory_space<vmem>>
    %dma_wait3A_143 = arith.constant 0 : i32
    %dma_wait3A_144 = tpu.memref_slice %arg7[%dma_wait3A_139, %dma_wait3A_143] : memref<4x128xi32, #tpu.memory_space<vmem>> -> memref<1x128xi32, #tpu.memory_space<vmem>>
    %dma_wait3A_145 = tpu.memref_squeeze %dma_wait3A_144 : memref<1x128xi32, #tpu.memory_space<vmem>> -> memref<128xi32, #tpu.memory_space<vmem>>
    %dma_wait3A_146 = arith.constant 0 : i32
    %dma_wait3A_147 = arith.constant 0 : i32
    %dma_wait3A_148 = tpu.memref_slice %arg3[%dma_wait3A_146, %dma_wait3A_147] : memref<100000x128xf32, #tpu.memory_space<hbm>> -> memref<100000x128xf32, #tpu.memory_space<hbm>>
    tpu.wait_indirect_dma semaphore(%arg13 : memref<!tpu.dma_semaphore, #tpu.memory_space<semaphore_mem>>) src(%dma_wait3A_148 : memref<100000x128xf32, #tpu.memory_space<hbm>>) dst(%dma_wait3A_142 : memref<128x128xf32, #tpu.memory_space<vmem>>)
    %add3A_149 = arith.constant 384 : i32
    %add3A_150 = arith.addi %mul3A_2, %add3A_149 : i32
    %dma_start3A_151 = arith.constant 384 : i32
    %dma_start3A_152 = arith.constant 0 : i32
    %dma_start3A_153 = tpu.memref_slice %arg8[%dma_start3A_151, %dma_start3A_152] : memref<512x128xf32, #tpu.memory_space<vmem>> -> memref<128x128xf32, #tpu.memory_space<vmem>>
    %dma_start3A_154 = arith.constant 0 : i32
    %dma_start3A_155 = tpu.memref_slice %arg5[%add3A_150, %dma_start3A_154] : memref<16384x128xf32, #tpu.memory_space<hbm>> -> memref<128x128xf32, #tpu.memory_space<hbm>>
    %dma_start3A_156 = arith.constant 0 : i32
    %dma_start3A_157 = tpu.memref_slice %arg5[%add3A_150, %dma_start3A_156] : memref<16384x128xf32, #tpu.memory_space<hbm>> -> memref<128x128xf32, #tpu.memory_space<hbm>>
    %dma_start3A_158 = arith.constant 384 : i32
    %dma_start3A_159 = arith.constant 0 : i32
    %dma_start3A_160 = tpu.memref_slice %arg8[%dma_start3A_158, %dma_start3A_159] : memref<512x128xf32, #tpu.memory_space<vmem>> -> memref<128x128xf32, #tpu.memory_space<vmem>>
    tpu.enqueue_dma source(%dma_start3A_160 : memref<128x128xf32, #tpu.memory_space<vmem>>) target(%dma_start3A_157 : memref<128x128xf32, #tpu.memory_space<hbm>>) target_semaphore(%arg15 : memref<!tpu.dma_semaphore, #tpu.memory_space<semaphore_mem>>)
    %dma_wait3A_161 = arith.constant 0 : i32
    %dma_wait3A_162 = arith.constant 0 : i32
    %dma_wait3A_163 = tpu.memref_slice %arg9[%dma_wait3A_162] : memref<512xf32, #tpu.memory_space<vmem>> -> memref<128xf32, #tpu.memory_space<vmem>>
    %dma_wait3A_164 = arith.constant 0 : i32
    %dma_wait3A_165 = tpu.memref_slice %arg7[%dma_wait3A_161, %dma_wait3A_164] : memref<4x128xi32, #tpu.memory_space<vmem>> -> memref<1x128xi32, #tpu.memory_space<vmem>>
    %dma_wait3A_166 = tpu.memref_squeeze %dma_wait3A_165 : memref<1x128xi32, #tpu.memory_space<vmem>> -> memref<128xi32, #tpu.memory_space<vmem>>
    %dma_wait3A_167 = arith.constant 0 : i32
    %dma_wait3A_168 = tpu.memref_slice %arg4[%dma_wait3A_167] : memref<100000xf32, #tpu.memory_space<hbm>> -> memref<100000xf32, #tpu.memory_space<hbm>>
    tpu.wait_indirect_dma semaphore(%arg14 : memref<!tpu.dma_semaphore, #tpu.memory_space<semaphore_mem>>) src(%dma_wait3A_168 : memref<100000xf32, #tpu.memory_space<hbm>>) dst(%dma_wait3A_163 : memref<128xf32, #tpu.memory_space<vmem>>)
    %dma_wait3A_169 = arith.constant 1 : i32
    %dma_wait3A_170 = arith.constant 128 : i32
    %dma_wait3A_171 = tpu.memref_slice %arg9[%dma_wait3A_170] : memref<512xf32, #tpu.memory_space<vmem>> -> memref<128xf32, #tpu.memory_space<vmem>>
    %dma_wait3A_172 = arith.constant 0 : i32
    %dma_wait3A_173 = tpu.memref_slice %arg7[%dma_wait3A_169, %dma_wait3A_172] : memref<4x128xi32, #tpu.memory_space<vmem>> -> memref<1x128xi32, #tpu.memory_space<vmem>>
    %dma_wait3A_174 = tpu.memref_squeeze %dma_wait3A_173 : memref<1x128xi32, #tpu.memory_space<vmem>> -> memref<128xi32, #tpu.memory_space<vmem>>
    %dma_wait3A_175 = arith.constant 0 : i32
    %dma_wait3A_176 = tpu.memref_slice %arg4[%dma_wait3A_175] : memref<100000xf32, #tpu.memory_space<hbm>> -> memref<100000xf32, #tpu.memory_space<hbm>>
    tpu.wait_indirect_dma semaphore(%arg14 : memref<!tpu.dma_semaphore, #tpu.memory_space<semaphore_mem>>) src(%dma_wait3A_176 : memref<100000xf32, #tpu.memory_space<hbm>>) dst(%dma_wait3A_171 : memref<128xf32, #tpu.memory_space<vmem>>)
    %dma_wait3A_177 = arith.constant 2 : i32
    %dma_wait3A_178 = arith.constant 256 : i32
    %dma_wait3A_179 = tpu.memref_slice %arg9[%dma_wait3A_178] : memref<512xf32, #tpu.memory_space<vmem>> -> memref<128xf32, #tpu.memory_space<vmem>>
    %dma_wait3A_180 = arith.constant 0 : i32
    %dma_wait3A_181 = tpu.memref_slice %arg7[%dma_wait3A_177, %dma_wait3A_180] : memref<4x128xi32, #tpu.memory_space<vmem>> -> memref<1x128xi32, #tpu.memory_space<vmem>>
    %dma_wait3A_182 = tpu.memref_squeeze %dma_wait3A_181 : memref<1x128xi32, #tpu.memory_space<vmem>> -> memref<128xi32, #tpu.memory_space<vmem>>
    %dma_wait3A_183 = arith.constant 0 : i32
    %dma_wait3A_184 = tpu.memref_slice %arg4[%dma_wait3A_183] : memref<100000xf32, #tpu.memory_space<hbm>> -> memref<100000xf32, #tpu.memory_space<hbm>>
    tpu.wait_indirect_dma semaphore(%arg14 : memref<!tpu.dma_semaphore, #tpu.memory_space<semaphore_mem>>) src(%dma_wait3A_184 : memref<100000xf32, #tpu.memory_space<hbm>>) dst(%dma_wait3A_179 : memref<128xf32, #tpu.memory_space<vmem>>)
    %dma_wait3A_185 = arith.constant 3 : i32
    %dma_wait3A_186 = arith.constant 384 : i32
    %dma_wait3A_187 = tpu.memref_slice %arg9[%dma_wait3A_186] : memref<512xf32, #tpu.memory_space<vmem>> -> memref<128xf32, #tpu.memory_space<vmem>>
    %dma_wait3A_188 = arith.constant 0 : i32
    %dma_wait3A_189 = tpu.memref_slice %arg7[%dma_wait3A_185, %dma_wait3A_188] : memref<4x128xi32, #tpu.memory_space<vmem>> -> memref<1x128xi32, #tpu.memory_space<vmem>>
    %dma_wait3A_190 = tpu.memref_squeeze %dma_wait3A_189 : memref<1x128xi32, #tpu.memory_space<vmem>> -> memref<128xi32, #tpu.memory_space<vmem>>
    %dma_wait3A_191 = arith.constant 0 : i32
    %dma_wait3A_192 = tpu.memref_slice %arg4[%dma_wait3A_191] : memref<100000xf32, #tpu.memory_space<hbm>> -> memref<100000xf32, #tpu.memory_space<hbm>>
    tpu.wait_indirect_dma semaphore(%arg14 : memref<!tpu.dma_semaphore, #tpu.memory_space<semaphore_mem>>) src(%dma_wait3A_192 : memref<100000xf32, #tpu.memory_space<hbm>>) dst(%dma_wait3A_187 : memref<128xf32, #tpu.memory_space<vmem>>)
    %dma_start3A_193 = tpu.memref_slice %arg6[%mul3A_2] : memref<16384xf32, #tpu.memory_space<hbm>> -> memref<512xf32, #tpu.memory_space<hbm>>
    %dma_start3A_194 = tpu.memref_slice %arg6[%mul3A_2] : memref<16384xf32, #tpu.memory_space<hbm>> -> memref<512xf32, #tpu.memory_space<hbm>>
    tpu.enqueue_dma source(%arg9 : memref<512xf32, #tpu.memory_space<vmem>>) target(%dma_start3A_194 : memref<512xf32, #tpu.memory_space<hbm>>) target_semaphore(%arg15 : memref<!tpu.dma_semaphore, #tpu.memory_space<semaphore_mem>>)
    %dma_wait3A_195 = arith.constant 0 : i32
    %dma_wait3A_196 = arith.constant 0 : i32
    %dma_wait3A_197 = tpu.memref_slice %arg8[%dma_wait3A_195, %dma_wait3A_196] : memref<512x128xf32, #tpu.memory_space<vmem>> -> memref<128x128xf32, #tpu.memory_space<vmem>>
    %dma_wait3A_198 = arith.constant 0 : i32
    %dma_wait3A_199 = tpu.memref_slice %arg5[%add3A_84, %dma_wait3A_198] : memref<16384x128xf32, #tpu.memory_space<hbm>> -> memref<128x128xf32, #tpu.memory_space<hbm>>
    %dma_wait3A_200 = arith.constant 0 : i32
    %dma_wait3A_201 = tpu.memref_slice %arg5[%add3A_84, %dma_wait3A_200] : memref<16384x128xf32, #tpu.memory_space<hbm>> -> memref<128x128xf32, #tpu.memory_space<hbm>>
    %dma_wait3A_202 = arith.constant 0 : i32
    %dma_wait3A_203 = arith.constant 0 : i32
    %dma_wait3A_204 = tpu.memref_slice %arg8[%dma_wait3A_202, %dma_wait3A_203] : memref<512x128xf32, #tpu.memory_space<vmem>> -> memref<128x128xf32, #tpu.memory_space<vmem>>
    tpu.wait_dma2 semaphore(%arg15 : memref<!tpu.dma_semaphore, #tpu.memory_space<semaphore_mem>>) src(%dma_wait3A_204 : memref<128x128xf32, #tpu.memory_space<vmem>>) dst(%dma_wait3A_201 : memref<128x128xf32, #tpu.memory_space<hbm>>)
    %dma_wait3A_205 = arith.constant 128 : i32
    %dma_wait3A_206 = arith.constant 0 : i32
    %dma_wait3A_207 = tpu.memref_slice %arg8[%dma_wait3A_205, %dma_wait3A_206] : memref<512x128xf32, #tpu.memory_space<vmem>> -> memref<128x128xf32, #tpu.memory_space<vmem>>
    %dma_wait3A_208 = arith.constant 0 : i32
    %dma_wait3A_209 = tpu.memref_slice %arg5[%add3A_106, %dma_wait3A_208] : memref<16384x128xf32, #tpu.memory_space<hbm>> -> memref<128x128xf32, #tpu.memory_space<hbm>>
    %dma_wait3A_210 = arith.constant 0 : i32
    %dma_wait3A_211 = tpu.memref_slice %arg5[%add3A_106, %dma_wait3A_210] : memref<16384x128xf32, #tpu.memory_space<hbm>> -> memref<128x128xf32, #tpu.memory_space<hbm>>
    %dma_wait3A_212 = arith.constant 128 : i32
    %dma_wait3A_213 = arith.constant 0 : i32
    %dma_wait3A_214 = tpu.memref_slice %arg8[%dma_wait3A_212, %dma_wait3A_213] : memref<512x128xf32, #tpu.memory_space<vmem>> -> memref<128x128xf32, #tpu.memory_space<vmem>>
    tpu.wait_dma2 semaphore(%arg15 : memref<!tpu.dma_semaphore, #tpu.memory_space<semaphore_mem>>) src(%dma_wait3A_214 : memref<128x128xf32, #tpu.memory_space<vmem>>) dst(%dma_wait3A_211 : memref<128x128xf32, #tpu.memory_space<hbm>>)
    %dma_wait3A_215 = arith.constant 256 : i32
    %dma_wait3A_216 = arith.constant 0 : i32
    %dma_wait3A_217 = tpu.memref_slice %arg8[%dma_wait3A_215, %dma_wait3A_216] : memref<512x128xf32, #tpu.memory_space<vmem>> -> memref<128x128xf32, #tpu.memory_space<vmem>>
    %dma_wait3A_218 = arith.constant 0 : i32
    %dma_wait3A_219 = tpu.memref_slice %arg5[%add3A_128, %dma_wait3A_218] : memref<16384x128xf32, #tpu.memory_space<hbm>> -> memref<128x128xf32, #tpu.memory_space<hbm>>
    %dma_wait3A_220 = arith.constant 0 : i32
    %dma_wait3A_221 = tpu.memref_slice %arg5[%add3A_128, %dma_wait3A_220] : memref<16384x128xf32, #tpu.memory_space<hbm>> -> memref<128x128xf32, #tpu.memory_space<hbm>>
    %dma_wait3A_222 = arith.constant 256 : i32
    %dma_wait3A_223 = arith.constant 0 : i32
    %dma_wait3A_224 = tpu.memref_slice %arg8[%dma_wait3A_222, %dma_wait3A_223] : memref<512x128xf32, #tpu.memory_space<vmem>> -> memref<128x128xf32, #tpu.memory_space<vmem>>
    tpu.wait_dma2 semaphore(%arg15 : memref<!tpu.dma_semaphore, #tpu.memory_space<semaphore_mem>>) src(%dma_wait3A_224 : memref<128x128xf32, #tpu.memory_space<vmem>>) dst(%dma_wait3A_221 : memref<128x128xf32, #tpu.memory_space<hbm>>)
    %dma_wait3A_225 = arith.constant 384 : i32
    %dma_wait3A_226 = arith.constant 0 : i32
    %dma_wait3A_227 = tpu.memref_slice %arg8[%dma_wait3A_225, %dma_wait3A_226] : memref<512x128xf32, #tpu.memory_space<vmem>> -> memref<128x128xf32, #tpu.memory_space<vmem>>
    %dma_wait3A_228 = arith.constant 0 : i32
    %dma_wait3A_229 = tpu.memref_slice %arg5[%add3A_150, %dma_wait3A_228] : memref<16384x128xf32, #tpu.memory_space<hbm>> -> memref<128x128xf32, #tpu.memory_space<hbm>>
    %dma_wait3A_230 = arith.constant 0 : i32
    %dma_wait3A_231 = tpu.memref_slice %arg5[%add3A_150, %dma_wait3A_230] : memref<16384x128xf32, #tpu.memory_space<hbm>> -> memref<128x128xf32, #tpu.memory_space<hbm>>
    %dma_wait3A_232 = arith.constant 384 : i32
    %dma_wait3A_233 = arith.constant 0 : i32
    %dma_wait3A_234 = tpu.memref_slice %arg8[%dma_wait3A_232, %dma_wait3A_233] : memref<512x128xf32, #tpu.memory_space<vmem>> -> memref<128x128xf32, #tpu.memory_space<vmem>>
    tpu.wait_dma2 semaphore(%arg15 : memref<!tpu.dma_semaphore, #tpu.memory_space<semaphore_mem>>) src(%dma_wait3A_234 : memref<128x128xf32, #tpu.memory_space<vmem>>) dst(%dma_wait3A_231 : memref<128x128xf32, #tpu.memory_space<hbm>>)
    %dma_wait3A_235 = tpu.memref_slice %arg6[%mul3A_2] : memref<16384xf32, #tpu.memory_space<hbm>> -> memref<512xf32, #tpu.memory_space<hbm>>
    %dma_wait3A_236 = tpu.memref_slice %arg6[%mul3A_2] : memref<16384xf32, #tpu.memory_space<hbm>> -> memref<512xf32, #tpu.memory_space<hbm>>
    tpu.wait_dma2 semaphore(%arg15 : memref<!tpu.dma_semaphore, #tpu.memory_space<semaphore_mem>>) src(%arg9 : memref<512xf32, #tpu.memory_space<vmem>>) dst(%dma_wait3A_236 : memref<512xf32, #tpu.memory_space<hbm>>)
    return
  }
}

</mosaic_0001>

<sc_bundles>
// kernel: kernel.3.cloned.1.call-start
scs
__scs_entry_jumppad:
0x0: {  	(pc) =	sbr.rel $0x88, $3  }
0x1: {  	(tag) =	ssettag $0x0;
	lr =	simm.s32 $0x1  }
0x2: {  	[smem:$0x3F9E] =	sst lr;
	_ =	strace $0xD0000000  }
0x3: {  	_ = 	snop  }
0x4: {  	_ = 	snop  }
0x5: {  	_ = 	snop  }
0x6: {  	_ = 	snop  }
0x7: {  	_ = 	snop  }
__scs_overlays_trampoline_lowered:
0x8: {  	[smem:$0x3FAD] =	sst s0  }
0x9: {  	[smem:$0x3FAE] =	sst s1  }
0xa: {  	[smem:$0x3FAF] =	sst s2  }
0xb: {  	[smem:$0x3FB0] =	sst s3  }
0xc: {  	[smem:$0x3FB1] =	sst s4  }
0xd: {  	[smem:$0x3FB2] =	sst s5  }
0xe: {  	[smem:$0x3FB3] =	sst s6  }
0xf: {  	[smem:$0x3FB4] =	sst s7  }
0x10: {  	[smem:$0x3FB5] =	sst s8  }
0x11: {  	[smem:$0x3FB6] =	sst s9;
	s0 =	simm.s32 @!p0 $0x0  }
0x12: {  	s1 =	sld [smem:$0x3F9C];
	s0 =	simm.s32 @p0 $0x1  }
0x13: {  	[smem:$0x3FB7] =	sst s0;
	s0 =	simm.s32 @!p1 $0x0  }
0x14: {  	s2 =	sld [smem:$0x3F9B];
	s0 =	simm.s32 @p1 $0x1  }
0x15: {  	[smem:$0x3FB8] =	sst s0;
	s0 =	simm.s32 @!p2 $0x0  }
0x16: {  	s3 =	sld [smem:$0x3FDB];
	s0 =	simm.s32 @p2 $0x1  }
0x17: {  	s4 =	simm.s32 $0x1BF5;
	[smem:$0x3FBA] =	sst s0  }
0x18: {  	s0 =	sld [smem:$0x3F9D];
	_ =	swait.ge [sflag:s4], $0x0  }
0x19: {  	s7 =	sld [smem:$0x3F9E]  }
0x1a: {  	s8 =	sadd.s32 $0xFFFFE003, lr  }
0x1b: {  	s9 =	sadd.s32 $0xFFFFFEF7, lr;
	s5 =	simm.s32 $0xFFFFFFFF;
	p2 =	slt.u32 s8, $0xFFFFF086  }
0x1c: {  	p1 =	slt.u32 s9, $0xF7A;
	s5 =	simm.s32 @!p2 $0x0  }
0x1d: {  	s5 =	simm.s32 @p1 $0x1;
	p0 =	seq.s32 s7, s2  }
0x1e: {  	s7 =	smul.u32 @!p0 $0xF7A, s2;
	p2 =	seq.s32 @!p0 s5, $0x0  }
0x1f: {  	s9 =	smul.u32 $0xF7A, s1;
	s8 =	simm.s32 @!p0 $0x1BF5;
	p2 =	por !p2, p0  }
0x20: {  	[sflag:s8] =	ssyncset.s32 @!p0 $0xFFFFF086;
	s6 =	sadd.s32 @!p0 s3, s7;
	s7 =	simm.s32 @!p0 $0x108  }
0x21: {  	s3 =	sadd.s32 s3, s9;
	s6 =	sadd.s32 @!p0 $0x88, s6;
	s7 =	simm.s32 @p2 $0x1082  }
0x22: {  	[simem:s7], [sflag:s8] =	dma.local @!p0 [hbm:s6], $0xF7A  }
0x23: {  	s9 =	sor.u32 $0xD0000000, s2;
	s6 =	simm.s32 $0x108;
	_ =	swait.ge @!p0 [sflag:s8], $0x0  }
0x24: {  	s3 =	sadd.s32 $0x88, s3;
	s6 =	simm.s32 @!p1 $0x1082;
	[sflag:s4] =	ssyncset.s32 $0xFFFFF086  }
0x25: {  	[simem:s6], [sflag:s4] =	dma.local [hbm:s3], $0xF7A  }
0x26: {  	[smem:$0x3F9E] =	sst s1;
	(tag) =	ssettag s2;
	_ =	strace s9  }
0x27: {  	s1 =	sld [smem:$0x3FAE]  }
0x28: {  	s2 =	sld [smem:$0x3FAF]  }
0x29: {  	s4 =	sld [smem:$0x3FB1]  }
0x2a: {  	p0 =	seq.s32 s5, $0x0;
	s5 =	sld [smem:$0x3FB2]  }
0x2b: {  	s6 =	sld [smem:$0x3FB3]  }
0x2c: {  	s7 =	sld [smem:$0x3FB4]  }
0x2d: {  	s3 =	simm.s32 $0x108;
	s8 =	sld [smem:$0x3FB5]  }
0x2e: {  	s3 =	simm.s32 @!p0 $0x1082;
	s9 =	sld [smem:$0x3FB6]  }
0x2f: {  	lr =	sadd.s32 s0, s3;
	s0 =	sld [smem:$0x3FAD]  }
0x30: {  	s3 =	sld [smem:$0x3FB0]  }
0x31: {  	[smem:$0x3FB9] =	sst s10  }
0x32: {  	s10 =	sld [smem:$0x3FB7];
	_ =	sdelay $0x3  }
0x33: {  	p0 =	seq.s32 s10, $0x1;
	s10 =	sld [smem:$0x3FB9];
	_ =	sdelay $0x3  }
0x34: {  	[smem:$0x3FB9] =	sst s10  }
0x35: {  	s10 =	sld [smem:$0x3FB8];
	_ =	sdelay $0x3  }
0x36: {  	p1 =	seq.s32 s10, $0x1;
	s10 =	sld [smem:$0x3FB9];
	_ =	sdelay $0x3  }
0x37: {  	[smem:$0x3FB9] =	sst s10  }
0x38: {  	s10 =	sld [smem:$0x3FBA]  }
0x39: {  	_ = 	snop;
	(pc) =	sbr.ind lr, $3  }
0x3a: {  	_ = 	snop  }
0x3b: {  	_ = 	snop  }
0x3c: {  	p2 =	seq.s32 s10, $0x1;
	s10 =	sld [smem:$0x3FB9]  }
0x3d: {  	_ =	shalt  }
0x3e: {  	_ =	shalt  }
0x3f: {  	_ =	shalt  }
0x40: {  	_ =	shalt  }
0x41: {  	_ =	shalt  }
0x42: {  	_ =	shalt  }
0x43: {  	_ =	shalt  }
0x44: {  	_ =	shalt  }
0x45: {  	_ =	shalt  }
0x46: {  	_ =	shalt  }
0x47: {  	_ =	shalt  }
0x48: {  	_ =	shalt  }
0x49: {  	_ =	shalt  }
0x4a: {  	_ =	shalt  }
0x4b: {  	_ =	shalt  }
0x4c: {  	_ =	shalt  }
0x4d: {  	_ =	shalt  }
0x4e: {  	_ =	shalt  }
0x4f: {  	_ =	shalt  }
0x50: {  	_ =	shalt  }
0x51: {  	_ =	shalt  }
0x52: {  	_ =	shalt  }
0x53: {  	_ =	shalt  }
0x54: {  	_ =	shalt  }
0x55: {  	_ =	shalt  }
0x56: {  	_ =	shalt  }
0x57: {  	_ =	shalt  }
0x58: {  	_ =	shalt  }
0x59: {  	_ =	shalt  }
0x5a: {  	_ =	shalt  }
0x5b: {  	_ =	shalt  }
0x5c: {  	_ =	shalt  }
0x5d: {  	_ =	shalt  }
0x5e: {  	_ =	shalt  }
0x5f: {  	_ =	shalt  }
0x60: {  	_ =	shalt  }
0x61: {  	_ =	shalt  }
0x62: {  	_ =	shalt  }
0x63: {  	_ =	shalt  }
0x64: {  	_ =	shalt  }
0x65: {  	_ =	shalt  }
0x66: {  	_ =	shalt  }
0x67: {  	_ =	shalt  }
0x68: {  	_ =	shalt  }
0x69: {  	_ =	shalt  }
0x6a: {  	_ =	shalt  }
0x6b: {  	_ =	shalt  }
0x6c: {  	_ =	shalt  }
0x6d: {  	_ =	shalt  }
0x6e: {  	_ =	shalt  }
0x6f: {  	_ =	shalt  }
0x70: {  	_ =	shalt  }
0x71: {  	_ =	shalt  }
0x72: {  	_ =	shalt  }
0x73: {  	_ =	shalt  }
0x74: {  	_ =	shalt  }
0x75: {  	_ =	shalt  }
0x76: {  	_ =	shalt  }
0x77: {  	_ =	shalt  }
0x78: {  	_ =	shalt  }
0x79: {  	_ =	shalt  }
0x7a: {  	_ =	shalt  }
0x7b: {  	_ =	shalt  }
0x7c: {  	_ =	shalt  }
0x7d: {  	_ =	shalt  }
0x7e: {  	_ =	shalt  }
0x7f: {  	_ =	shalt  }
0x80: {  	_ =	shalt  }
0x81: {  	_ =	shalt  }
0x82: {  	_ =	shalt  }
0x83: {  	_ =	shalt  }
0x84: {  	_ =	shalt  }
0x85: {  	_ =	shalt  }
0x86: {  	_ =	shalt  }
0x87: {  	_ =	shalt  }
.Lfunc_end0:
.L_simem_size_0:
called_computation_lowered:
.L_overlay_start_0:
0x88: {  	s2 =	sld [smem:$0x3FD9]  }
0x89: {  	s3 =	sld [smem:$0x3FFE];
	_ =	sdelay $0x1  }
0x8a: {  	s1 =	srdreg.scid  }
0x8b: {  	s0 =	sand.u32 $0x1, s1  }
0x8c: {  	s15 =	sshll.u32 s0, $0xA;
	s2 =	sadd.s32 s3, s2  }
0x8d: {  	s2 =	sadd.s32 s2, s15  }
0x8e: {  	[smem:$0x3FC5] =	sst s2  }
0x8f: {  	_ = 	snop  }
0x90: {  	s2 =	sld [smem:$0x3FD0]  }
0x91: {  	s16 =	sld [smem:$0x3FC9]  }
0x92: {  	s4 =	sld [smem:$0x3FC8]  }
0x93: {  	s6 =	simm.s32 $0xA;
	s7 =	simm.s32 $0x10;
	s5 =	sld [smem:$0x3FC7]  }
0x94: {  	[smem:s7], [sflag:s6] =	dma.local [hbm:s2], $0x1  }
0x95: {  	_ =	swait.eq [sflag:s6], $0x1  }
0x96: {  	[sflag:s6] =	ssyncset.done $0x0  }
0x97: {  	s17 =	sld [smem:$0x10];
	[sflag:s6] =	ssyncadd.s32 $0xFFFFFFFF  }
0x98: {  	s18 =	sld [smem:$0x11];
	(tm) =	ssettm $0x1  }
0x99: {  	s19 =	sld [smem:$0x3FFB];
	_ =	sdelay $0x3  }
0x9a: {  	_ =	strace s19  }
0x9b: {  	s7 =	sld [smem:$0x3FFC];
	_ =	sdelay $0x3  }
0x9c: {  	_ =	strace s7  }
0x9d: {  	s7 =	sld [smem:$0x3FFD];
	_ =	sdelay $0x3  }
0x9e: {  	_ =	strace s7  }
0x9f: {  	_ =	strace $0x8FFFFFFF  }
0xa0: {  	s20 =	sld [smem:$0x3FDB];
	_ =	sdelay $0x1  }
0xa1: {  	s8 =	simm.s32 $_scs_section_size  }
0xa2: {  	s9 =	simm.s32 $_size__tile_overlayer_lowered;
	s10 =	simm.s32 $_tile_overlayer_lowered  }
0xa3: {  	s23 =	simm.s32 $0x1BFF;
	s22 =	sshll.u32 s10, $0x1;
	s7 =	sadd.s32 s8, s20  }
0xa4: {  	s11 =	simm.s32 $0x0;
	s21 =	sshll.u32 s9, $0x1;
	s9 =	sadd.s32 s22, s7  }
0xa5: {  	[timem:s11], [sflag:s23] =	dma.local [hbm:s9], s21  }
0xa6: {  	_ =	swait.ge [sflag:s23], s21  }
0xa7: {  	s8 =	ssub.s32 $0x0, s21;
	[sflag:s23] =	ssyncset.done $0x0  }
0xa8: {  	[sflag:s23] =	ssyncadd.s32 s8;
	_ =	sdelay $0x1  }
0xa9: {  	s24 =	simm.s32 $0x1B8B  }
0xaa: {  	_ =	swait.ge [sflag:s24], $0x1  }
0xab: {  	[sflag:s24] =	ssyncset.done $0x0  }
0xac: {  	s25 =	simm.s32 $0x1B8E;
	[sflag:s24] =	ssyncadd.s32 $0xFFFFFFFF  }
0xad: {  	s26 =	simm.s32 $execute0_lowered;
	[smem:$0x3FD2] =	sst s25  }
0xae: {  	s8 =	sshll.u32 s26, $0x1;
	_ =	strace $0x80000046;
	[dreg:$0x1] =	wrdreg $0xFFFFFFFF  }
0xaf: {  	s28 =	simm.s32 $_size_execute0_lowered;
	s7 =	sadd.s32 s7, s8;
	[dreg:$0x0] =	wrdreg $0x0  }
0xb0: {  	s8 =	sshll.u32 s28, $0x1;
	[dreg:$0x2] =	wrdreg s7  }
0xb1: {  	[dreg:$0x3] =	wrdreg s8  }
0xb2: {  	[dreg:$0x4] =	wrdreg $0xC0  }
0xb3: {  	_ =	task [dreg:s11], $0x5FFFF  }
0xb4: {  	[dreg:$0x1] =	wrdreg $0xFFFFFFFF  }
0xb5: {  	[dreg:$0x0] =	wrdreg $0x60  }
0xb6: {  	[dreg:$0x2] =	wrdreg s16  }
0xb7: {  	[dreg:$0x3] =	wrdreg s4  }
0xb8: {  	[dreg:$0x4] =	wrdreg s5  }
0xb9: {  	[dreg:$0x5] =	wrdreg s17  }
0xba: {  	[dreg:$0x6] =	wrdreg s18  }
0xbb: {  	[dreg:$0x7] =	wrdreg $0x9  }
0xbc: {  	_ =	task.clear_ibuf [dreg:s11], $0x8FFFF;
	_ =	strace $0x90000046  }
0xbd: {  	s29 =	simm.s32 $0x9;
	_ =	strace $0x80000048  }
0xbe: {  	_ =	swait.ge [sflag:s29], $0x1  }
0xbf: {  	[sflag:s29] =	ssyncadd.s32 $0xFFFFFFFF  }
0xc0: {  	_ =	strace $0x90000048  }
0xc1: {  	_ =	sfence  }
0xc2: {  	s30 =	sld [smem:$0x0];
	_ =	sdelay $0x2  }
0xc3: {  	s31 =	sshll.u32 s1, $0xD;
	s1 =	sshrl.u32 s1, $0x2  }
0xc4: {  	s3 =	sand.u32 $0x4000, s31;
	s1 =	sadd.s32 s1, s30  }
0xc5: {  	s0 =	sor.u32 s3, s0;
	s1 =	sshll.u32 s1, $0x11  }
0xc6: {  	s0 =	sor.u32 s1, s0  }
0xc7: {  	s0 =	sadd.s32 $0x8F2B, s0  }
0xc8: {  	[sflag:s0] =	ssyncadd.remote.s32 $0x1  }
0xc9: {  	_ =	sfence.sel $0xFFFF  }
0xca: {  	[dreg:$0x0] =	wrdreg $0xFFFFFFFF;
	(pc) =	sbr.abs _section_cstart, $3  }
0xcb: {  	[dreg:$0x1] =	wrdreg $0xFFFFFFFF  }
0xcc: {  	_ =	task.clear_ibuf [dreg:s11], $0x2FFFF;
	_ =	strace $0x9FFFFFFF  }
0xcd: {  	(tm) =	ssettm $0x7FFFFFFF  }
tec
execute0_lowered:
.L_overlay_start_1:
0x0: {  	(tag) =	ssettag $0x1  }
0x1: {  	s5 =	rddreg [dreg:$0x0]  }
0x2: {  	s1 =	rddreg [dreg:$0x1]  }
0x3: {  	s2 =	rddreg [dreg:$0x2];
	s3 =	srdreg.scid  }
0x4: {  	s19 =	rddreg [dreg:$0x3];
	s0 =	stileid.u32;
	s30 =	sand.u32 $0x1, s3  }
0x5: {  	s28 =	rddreg [dreg:$0x4];
	s6 =	sshll.u32 s0, $0xA;
	s7 =	sshll.u32 s30, $0x9  }
0x6: {  	s4 =	simm.s32 $0x0;
	s3 =	rddreg [dreg:$0x5];
	s20 =	sor.u32 s7, s6  }
0x7: {  	[smem:$0x7FF] =	sst s4;
	s29 =	sshrl.u32 s20, $0x3  }
0x8: {  	_ =	strace $0x80000047;
	s6 =	simm.s32 $0x7;
	s5 =	sadd.s32 s5, s29  }
0x9: {  	[tilespmem:s4], [sflag:$0x7] =	stream.linear.gather [hbm4b:s5+s4], $0x200, $0x38;
	[tilespmem:$0x10400] =	vst v63  }
0xa: {  	_ =	swait.ge [sflag:s6], $0x200  }
0xb: {  	[sflag:s6] =	ssyncset.done $0x0  }
0xc: {  	s8 =	simm.s32 $0x200;
	s7 =	simm.s32 $0x80;
	[sflag:s6] =	ssyncadd.s32 $0xFFFFFE00  }
0xd: {  	[tilespmem:s8], [sflag:$0x1] =	stream.indirect.gather [hbm4b:s1+s7], $0x80, s4, s7, $0xb8;
	[tilespmem:$0x10400] =	vst v63  }
0xe: {  	s9 =	simm.s32 $0x4200  }
0xf: {  	[tilespmem:s9], [sflag:$0x2] =	stream.indirect.gather [hbm4b:s1+s7], $0x80, s7, s7, $0xb8;
	[tilespmem:$0x10400] =	vst v63  }
0x10: {  	s10 =	simm.s32 $0x100;
	s11 =	simm.s32 $0x8200  }
0x11: {  	[tilespmem:s11], [sflag:$0x3] =	stream.indirect.gather [hbm4b:s1+s7], $0x80, s10, s7, $0xb8;
	[tilespmem:$0x10400] =	vst v63  }
0x12: {  	s12 =	simm.s32 $0x180;
	s13 =	simm.s32 $0xC200  }
0x13: {  	[tilespmem:s13], [sflag:$0x4] =	stream.indirect.gather [hbm4b:s1+s7], $0x80, s12, s7, $0xb8;
	[tilespmem:$0x10400] =	vst v63  }
0x14: {  	s14 =	simm.s32 $0x10200  }
0x15: {  	[tilespmem:s14], [sflag:$0x5] =	stream.indirect.gather [hbm4b:s2+s7], $0x1, s4, s7, $0xb8;
	[tilespmem:$0x10400] =	vst v63  }
0x16: {  	s15 =	simm.s32 $0x10280  }
0x17: {  	[tilespmem:s15], [sflag:$0x5] =	stream.indirect.gather [hbm4b:s2+s7], $0x1, s7, s7, $0xb8;
	[tilespmem:$0x10400] =	vst v63  }
0x18: {  	s16 =	simm.s32 $0x10300  }
0x19: {  	[tilespmem:s16], [sflag:$0x5] =	stream.indirect.gather [hbm4b:s2+s7], $0x1, s10, s7, $0xb8;
	[tilespmem:$0x10400] =	vst v63  }
0x1a: {  	s17 =	simm.s32 $0x10380;
	s18 =	simm.s32 $0x1  }
0x1b: {  	[tilespmem:s17], [sflag:$0x5] =	stream.indirect.gather [hbm4b:s2+s7], $0x1, s12, s7, $0xb8;
	[tilespmem:$0x10400] =	vst v63  }
0x1c: {  	_ =	swait.ge [sflag:s18], $0x4000  }
0x1d: {  	s20 =	sshll.u32 s20, $0x4;
	[sflag:s18] =	ssyncset.done $0x0  }
0x1e: {  	s19 =	sadd.s32 s19, s20;
	s20 =	simm.s32 $0x2;
	[sflag:s18] =	ssyncadd.s32 $0xFFFFC000  }
0x1f: {  	[hbm4b:s19+s4] =	stream.linear.scatter [tilespmem:s8], [sflag:$0x6], $0x4000, $0x38;
	[tilespmem:$0x10400] =	vst v63  }
0x20: {  	_ =	swait.ge [sflag:s20], $0x4000  }
0x21: {  	[sflag:s20] =	ssyncset.done $0x0  }
0x22: {  	s22 =	simm.s32 $0x3;
	s21 =	sadd.s32 $0x800, s19;
	[sflag:s20] =	ssyncadd.s32 $0xFFFFC000  }
0x23: {  	[hbm4b:s21+s4] =	stream.linear.scatter [tilespmem:s9], [sflag:$0x6], $0x4000, $0x38;
	[tilespmem:$0x10400] =	vst v63  }
0x24: {  	_ =	swait.ge [sflag:s22], $0x4000  }
0x25: {  	[sflag:s22] =	ssyncset.done $0x0  }
0x26: {  	s24 =	simm.s32 $0x4;
	s23 =	sadd.s32 $0x1000, s19;
	[sflag:s22] =	ssyncadd.s32 $0xFFFFC000  }
0x27: {  	[hbm4b:s23+s4] =	stream.linear.scatter [tilespmem:s11], [sflag:$0x6], $0x4000, $0x38;
	[tilespmem:$0x10400] =	vst v63  }
0x28: {  	_ =	swait.ge [sflag:s24], $0x4000  }
0x29: {  	[sflag:s24] =	ssyncset.done $0x0  }
0x2a: {  	s26 =	simm.s32 $0x5;
	s25 =	sadd.s32 $0x1800, s19;
	[sflag:s24] =	ssyncadd.s32 $0xFFFFC000  }
0x2b: {  	[hbm4b:s25+s4] =	stream.linear.scatter [tilespmem:s13], [sflag:$0x6], $0x4000, $0x38;
	[tilespmem:$0x10400] =	vst v63  }
0x2c: {  	_ =	swait.ge [sflag:s26], $0x80  }
0x2d: {  	[sflag:s26] =	ssyncset.done $0x0  }
0x2e: {  	[sflag:s26] =	ssyncadd.s32 $0xFFFFFF80  }
0x2f: {  	_ =	swait.ge [sflag:s26], $0x80  }
0x30: {  	[sflag:s26] =	ssyncset.done $0x0  }
0x31: {  	[sflag:s26] =	ssyncadd.s32 $0xFFFFFF80  }
0x32: {  	_ =	swait.ge [sflag:s26], $0x80  }
0x33: {  	[sflag:s26] =	ssyncset.done $0x0  }
0x34: {  	[sflag:s26] =	ssyncadd.s32 $0xFFFFFF80  }
0x35: {  	_ =	swait.ge [sflag:s26], $0x80  }
0x36: {  	[sflag:s26] =	ssyncset.done $0x0  }
0x37: {  	s28 =	sadd.s32 s28, s29;
	s29 =	simm.s32 $0x6;
	[sflag:s26] =	ssyncadd.s32 $0xFFFFFF80  }
0x38: {  	[hbm4b:s28+s4] =	stream.linear.scatter [tilespmem:s14], [sflag:$0x6], $0x200, $0x38;
	[tilespmem:$0x10400] =	vst v63  }
0x39: {  	_ =	swait.ge [sflag:s29], $0x4000  }
0x3a: {  	[sflag:s29] =	ssyncset.done $0x0  }
0x3b: {  	[sflag:s29] =	ssyncadd.s32 $0xFFFFC000  }
0x3c: {  	_ =	swait.ge [sflag:s29], $0x4000  }
0x3d: {  	s30 =	ssub.s32 $0x2, s30;
	[sflag:s29] =	ssyncset.done $0x0  }
0x3e: {  	s31 =	sshrl.u32 s30, $0x1;
	[sflag:s29] =	ssyncadd.s32 $0xFFFFC000  }
0x3f: {  	s30 =	ssub.s32 s30, s31;
	_ =	swait.ge [sflag:s29], $0x4000  }
0x40: {  	s30 =	smax.u32 s30, $0x1;
	[sflag:s29] =	ssyncset.done $0x0  }
0x41: {  	p0 =	sne.s32 s30, $0x1;
	[sflag:s29] =	ssyncadd.s32 $0xFFFFC000  }
.Ltmp0:
0x42: {  	_ =	swait.ge [sflag:s29], $0x4000;
	(pc) =	sbr.rel @!p0 .LBB2_2-.Ltmp0, $4  }
0x43: {  	[sflag:s29] =	ssyncset.done $0x0  }
0x44: {  	[sflag:s29] =	ssyncadd.s32 $0xFFFFC000  }
0x45: {  	_ =	swait.ge [sflag:s29], $0x200  }
0x46: {  	s30 =	sadd.s32 $0xFFFFFFFF, s30;
	[sflag:s29] =	ssyncset.done $0x0  }
.LBB2_1:
0x47: {  	p0 =	sne.s32 s30, $0x1;
	s30 =	sadd.s32 $0xFFFFFFFF, s30;
	[sflag:s29] =	ssyncadd.s32 $0xFFFFFE00  }
0x48: {  	[tilespmem:s4], [sflag:$0x7] =	stream.linear.gather [hbm4b:s5+s4], $0x200, $0x38;
	[tilespmem:$0x10400] =	vst v63  }
0x49: {  	_ =	swait.ge [sflag:s6], $0x200  }
0x4a: {  	[sflag:s6] =	ssyncset.done $0x0  }
0x4b: {  	[sflag:s6] =	ssyncadd.s32 $0xFFFFFE00  }
0x4c: {  	[tilespmem:s8], [sflag:$0x1] =	stream.indirect.gather [hbm4b:s1+s7], $0x80, s4, s7, $0xb8;
	[tilespmem:$0x10400] =	vst v63  }
0x4d: {  	_ = 	snop  }
0x4e: {  	[tilespmem:s9], [sflag:$0x2] =	stream.indirect.gather [hbm4b:s1+s7], $0x80, s7, s7, $0xb8;
	[tilespmem:$0x10400] =	vst v63  }
0x4f: {  	_ = 	snop  }
0x50: {  	[tilespmem:s11], [sflag:$0x3] =	stream.indirect.gather [hbm4b:s1+s7], $0x80, s10, s7, $0xb8;
	[tilespmem:$0x10400] =	vst v63  }
0x51: {  	_ = 	snop  }
0x52: {  	[tilespmem:s13], [sflag:$0x4] =	stream.indirect.gather [hbm4b:s1+s7], $0x80, s12, s7, $0xb8;
	[tilespmem:$0x10400] =	vst v63  }
0x53: {  	_ = 	snop  }
0x54: {  	[tilespmem:s14], [sflag:$0x5] =	stream.indirect.gather [hbm4b:s2+s7], $0x1, s4, s7, $0xb8;
	[tilespmem:$0x10400] =	vst v63  }
0x55: {  	_ = 	snop  }
0x56: {  	[tilespmem:s15], [sflag:$0x5] =	stream.indirect.gather [hbm4b:s2+s7], $0x1, s7, s7, $0xb8;
	[tilespmem:$0x10400] =	vst v63  }
0x57: {  	_ = 	snop  }
0x58: {  	[tilespmem:s16], [sflag:$0x5] =	stream.indirect.gather [hbm4b:s2+s7], $0x1, s10, s7, $0xb8;
	[tilespmem:$0x10400] =	vst v63  }
0x59: {  	_ = 	snop  }
0x5a: {  	[tilespmem:s17], [sflag:$0x5] =	stream.indirect.gather [hbm4b:s2+s7], $0x1, s12, s7, $0xb8;
	[tilespmem:$0x10400] =	vst v63  }
0x5b: {  	_ =	swait.ge [sflag:s18], $0x4000  }
0x5c: {  	[sflag:s18] =	ssyncset.done $0x0  }
0x5d: {  	[sflag:s18] =	ssyncadd.s32 $0xFFFFC000  }
0x5e: {  	[hbm4b:s19+s4] =	stream.linear.scatter [tilespmem:s8], [sflag:$0x6], $0x4000, $0x38;
	[tilespmem:$0x10400] =	vst v63  }
0x5f: {  	_ =	swait.ge [sflag:s20], $0x4000  }
0x60: {  	[sflag:s20] =	ssyncset.done $0x0  }
0x61: {  	[sflag:s20] =	ssyncadd.s32 $0xFFFFC000  }
0x62: {  	[hbm4b:s21+s4] =	stream.linear.scatter [tilespmem:s9], [sflag:$0x6], $0x4000, $0x38;
	[tilespmem:$0x10400] =	vst v63  }
0x63: {  	_ =	swait.ge [sflag:s22], $0x4000  }
0x64: {  	[sflag:s22] =	ssyncset.done $0x0  }
0x65: {  	[sflag:s22] =	ssyncadd.s32 $0xFFFFC000  }
0x66: {  	[hbm4b:s23+s4] =	stream.linear.scatter [tilespmem:s11], [sflag:$0x6], $0x4000, $0x38;
	[tilespmem:$0x10400] =	vst v63  }
0x67: {  	_ =	swait.ge [sflag:s24], $0x4000  }
0x68: {  	[sflag:s24] =	ssyncset.done $0x0  }
0x69: {  	[sflag:s24] =	ssyncadd.s32 $0xFFFFC000  }
0x6a: {  	[hbm4b:s25+s4] =	stream.linear.scatter [tilespmem:s13], [sflag:$0x6], $0x4000, $0x38;
	[tilespmem:$0x10400] =	vst v63  }
0x6b: {  	_ =	swait.ge [sflag:s26], $0x80  }
0x6c: {  	[sflag:s26] =	ssyncset.done $0x0  }
0x6d: {  	[sflag:s26] =	ssyncadd.s32 $0xFFFFFF80  }
0x6e: {  	_ =	swait.ge [sflag:s26], $0x80  }
0x6f: {  	[sflag:s26] =	ssyncset.done $0x0  }
0x70: {  	[sflag:s26] =	ssyncadd.s32 $0xFFFFFF80  }
0x71: {  	_ =	swait.ge [sflag:s26], $0x80  }
0x72: {  	[sflag:s26] =	ssyncset.done $0x0  }
0x73: {  	[sflag:s26] =	ssyncadd.s32 $0xFFFFFF80  }
0x74: {  	_ =	swait.ge [sflag:s26], $0x80  }
0x75: {  	[sflag:s26] =	ssyncset.done $0x0  }
0x76: {  	[sflag:s26] =	ssyncadd.s32 $0xFFFFFF80  }
0x77: {  	[hbm4b:s28+s4] =	stream.linear.scatter [tilespmem:s14], [sflag:$0x6], $0x200, $0x38;
	[tilespmem:$0x10400] =	vst v63  }
0x78: {  	_ =	swait.ge [sflag:s29], $0x4000  }
0x79: {  	[sflag:s29] =	ssyncset.done $0x0  }
0x7a: {  	[sflag:s29] =	ssyncadd.s32 $0xFFFFC000  }
0x7b: {  	_ =	swait.ge [sflag:s29], $0x4000  }
0x7c: {  	[sflag:s29] =	ssyncset.done $0x0  }
0x7d: {  	[sflag:s29] =	ssyncadd.s32 $0xFFFFC000  }
0x7e: {  	_ =	swait.ge [sflag:s29], $0x4000  }
0x7f: {  	[sflag:s29] =	ssyncset.done $0x0  }
0x80: {  	[sflag:s29] =	ssyncadd.s32 $0xFFFFC000  }
.Ltmp1:
0x81: {  	_ =	swait.ge [sflag:s29], $0x4000;
	(pc) =	sbr.rel @p0 .LBB2_1-.Ltmp1, $4  }
0x82: {  	[sflag:s29] =	ssyncset.done $0x0  }
0x83: {  	[sflag:s29] =	ssyncadd.s32 $0xFFFFC000  }
0x84: {  	_ =	swait.ge [sflag:s29], $0x200  }
0x85: {  	[sflag:s29] =	ssyncset.done $0x0  }
.LBB2_2:
0x86: {  	[sflag:s29] =	ssyncadd.s32 $0xFFFFFE00  }
0x87: {  	_ =	sfence.sel $0x180000  }
0x88: {  	[bflag:$0x0] =	sbarrier.arrive $0xFFFF  }
0x89: {  	p0 =	sne.s32 s0, $0x0;
	_ =	strace $0x90000047  }
0x8a: {  	s0 =	sadd.s32 @!p0 $0x100000, s3;
	[bflag:$0x2] =	sbarrier.arrive $0xFFFF  }
0x8b: {  	[sflag:s0] =	ssyncadd.tile.s32 @!p0 $0x1;
	_ =	shalt  }
.Lfunc_end2:
_tile_overlayer_lowered:
.L_overlay_start_2:
0x8c: {  	(tag) =	ssettag $0x2  }
0x8d: {  	s0 =	rddreg [dreg:$0x0];
	s2 =	stileid.u32  }
0x8e: {  	s1 =	rddreg [dreg:$0x1];
	p0 =	sne.s32 s2, $0x0  }
0x8f: {  	s3 =	rddreg [dreg:$0x2];
	[bflag:$0x3] =	sbarrier.arrive $0xFFFF;
	s2 =	simm.s32 @!p0 $0x1C07  }
0x90: {  	[timem:s3], [sflag:s2] =	dma.local @!p0 [hbm:s0], s1  }
0x91: {  	s0 =	simm.s32 @!p0 $0x7  }
0x92: {  	_ =	swait.ge @!p0 [sflag:s0], s1  }
0x93: {  	s1 =	ssub.s32 @!p0 $0x0, s1;
	[sflag:s0] =	ssyncset.done @!p0 $0x0  }
0x94: {  	[sflag:s0] =	ssyncadd.s32 @!p0 s1  }
0x95: {  	[bflag:$0x3] =	sbarrier.arrive $0xFFFF  }
0x96: {  	_ =	shalt  }

</sc_bundles>
